<compile_context>
chip_gen: v7x
topology: tpu7x:2x2x1
jax: 0.10.2.dev20260603
libtpu: 0.0.44.dev20260713+nightly
codegen_flags: <defaults>
</compile_context>

<pallas_src>
import functools

import jax
import jax.numpy as jnp
from jax import lax
from jax.experimental import pallas as pl
from jax.experimental.pallas import tpu as pltpu
from jax.experimental.pallas import tpu_sc as plsc

_K = 128
_H = 8


def _topk_step(q_ref, e_ref, topv_ref, topi_ref, *, blk, k):
    j = pl.program_id(0)

    @pl.when(j == 0)
    def _init():
        topv_ref[...] = jnp.full(topv_ref.shape, -jnp.inf, jnp.float32)
        topi_ref[...] = jnp.zeros(topi_ref.shape, jnp.int32)

    s0 = lax.dot_general(q_ref[...], e_ref[...], (((1,), (1,)), ((), ())),
                         preferred_element_type=jnp.float32)
    b = s0.shape[0]
    iota_w = lax.broadcasted_iota(jnp.int32, (b, blk), 1)
    colk = lax.broadcasted_iota(jnp.int32, (b, k), 1)

    rv0 = topv_ref[...]
    ri0 = topi_ref[...]
    go0 = jnp.any(s0 > rv0[:, k - 1:k])

    def cond(c):
        return c[0]

    def body(c):
        _, rv, ri, s = c
        t = rv[:, k - 1:k]
        sm = jnp.where(s > t, s, -jnp.inf)
        v = jnp.max(sm, axis=1, keepdims=True)
        active = v > t
        pos = jnp.min(jnp.where(sm == v, iota_w, blk), axis=1, keepdims=True)
        gidx = j * blk + pos
        s = jnp.where((iota_w == pos) & active, -jnp.inf, s)
        p = jnp.sum((rv >= v).astype(jnp.int32), axis=1, keepdims=True)
        rv_sh = jnp.concatenate([rv[:, :1], rv[:, :k - 1]], axis=1)
        ri_sh = jnp.concatenate([ri[:, :1], ri[:, :k - 1]], axis=1)
        nrv = jnp.where(colk < p, rv, jnp.where(colk == p, v, rv_sh))
        nri = jnp.where(colk < p, ri, jnp.where(colk == p, gidx, ri_sh))
        rv = jnp.where(active, nrv, rv)
        ri = jnp.where(active, nri, ri)
        go = jnp.any(s > rv[:, k - 1:k])
        return go, rv, ri, s

    _, rv, ri, _ = lax.while_loop(cond, body, (go0, rv0, ri0, s0))
    topv_ref[...] = rv
    topi_ref[...] = ri


def _topk(query_emb, index_embs, blk=1000):
    n, d = index_embs.shape
    b = query_emb.shape[0]
    assert n % blk == 0
    return pl.pallas_call(
        functools.partial(_topk_step, blk=blk, k=_K),
        grid=(n // blk,),
        in_specs=[pl.BlockSpec((b, d), lambda j: (0, 0)),
                  pl.BlockSpec((blk, d), lambda j: (j, 0))],
        out_specs=[pl.BlockSpec((b, _K), lambda j: (0, 0)),
                   pl.BlockSpec((b, _K), lambda j: (0, 0))],
        out_shape=[jax.ShapeDtypeStruct((b, _K), jnp.float32),
                   jax.ShapeDtypeStruct((b, _K), jnp.int32)],
    )(query_emb, index_embs)


def _gather(index_embs, flat_idx):
    n, d = index_embs.shape
    bt = flat_idx.shape[0]
    nw = 32
    bpw = bt // nw
    mesh = plsc.VectorSubcoreMesh(core_axis_name="c", subcore_axis_name="s")

    @functools.partial(
        pl.kernel, mesh=mesh,
        out_type=jax.ShapeDtypeStruct((bt, d), jnp.float32),
        scratch_types=[pltpu.VMEM((bpw,), jnp.int32),
                       pltpu.VMEM((bpw, d), jnp.float32),
                       pltpu.SemaphoreType.DMA])
    def gk(table_hbm, idx_hbm, out_hbm, idx_v, rows_v, sem):
        wid = lax.axis_index("s") * 2 + lax.axis_index("c")
        base = wid * bpw
        pltpu.sync_copy(idx_hbm.at[pl.ds(base, bpw)], idx_v)
        pltpu.async_copy(table_hbm.at[idx_v], rows_v, sem).wait()
        pltpu.sync_copy(rows_v, out_hbm.at[pl.ds(base, bpw)])

    return gk(index_embs, flat_idx)


def _rerank_body(q_ref, cand_ref, wq_ref, bq_ref, wd_ref, bd_ref, win_ref,
                 bin_ref, wo_ref, bo_ref, w1_ref, b1_ref, w2_ref, b2_ref,
                 out_ref, *, b, k, d, h):
    dh = d // h

    def mm_t(x, w_row):
        return lax.dot_general(x, w_row, (((1,), (1,)), ((), ())),
                               preferred_element_type=jnp.float32)

    q = q_ref[...]
    cand = cand_ref[...]
    qx = mm_t(q, wq_ref[...]) + bq_ref[...][None, :]
    d_ = mm_t(cand, wd_ref[...]) + bd_ref[...][None, :]
    win = win_ref[...]
    binv = bin_ref[...]
    qp = mm_t(qx, win[0:d]) + binv[0:d][None, :]
    kp = mm_t(d_, win[d:2 * d]) + binv[d:2 * d][None, :]
    vp = mm_t(d_, win[2 * d:3 * d]) + binv[2 * d:3 * d][None, :]

    lane = lax.broadcasted_iota(jnp.int32, (d, h), 0)
    head = lax.broadcasted_iota(jnp.int32, (d, h), 1)
    a1 = ((lane // dh) == head).astype(jnp.float32)

    prod = (kp.reshape(b, k, d) * qp[:, None, :]).reshape(b * k, d)
    logits = lax.dot_general(prod, a1, (((1,), (0,)), ((), ())),
                             preferred_element_type=jnp.float32)
    lg = (logits * (1.0 / jnp.sqrt(jnp.float32(dh)))).reshape(b, k, h)
    mx = jnp.max(lg, axis=1, keepdims=True)
    ex = jnp.exp(lg - mx)
    att = (ex / jnp.sum(ex, axis=1, keepdims=True)).reshape(b * k, h)
    attb = lax.dot_general(att, a1, (((1,), (1,)), ((), ())),
                           preferred_element_type=jnp.float32)
    ov = jnp.sum((attb * vp).reshape(b, k, d), axis=1)
    o = mm_t(ov, wo_ref[...]) + bo_ref[...][None, :]
    h1 = jnp.maximum(mm_t(o, w1_ref[...]) + b1_ref[...][None, :], 0.0)
    rr = jnp.sum(h1 * w2_ref[...], axis=1, keepdims=True) + b2_ref[0]
    out_ref[...] = rr


def _rerank(query_emb, cand, Wq, bq, Wd, bd, Win, bin_, Wo, bo, W1, b1, W2, b2):
    b, d = query_emb.shape
    k = cand.shape[0] // b
    body = functools.partial(_rerank_body, b=b, k=k, d=d, h=_H)
    return pl.pallas_call(
        body,
        out_shape=jax.ShapeDtypeStruct((b, 1), jnp.float32),
    )(query_emb, cand, Wq, bq, Wd, bd, Win, bin_, Wo, bo, W1, b1, W2, b2)


def kernel(query_emb, index_embs, Wq, bq, Wd, bd, Win, bin_, Wo, bo, W1, b1,
           W2, b2):
    top_scores, top_idx = _topk(query_emb, index_embs)
    cand = _gather(index_embs, top_idx.reshape(-1))
    rr = _rerank(query_emb, cand, Wq, bq, Wd, bd, Win, bin_, Wo, bo, W1, b1,
                 W2, b2)
    return top_idx, top_scores, rr[:, 0]

# --- scband reference (transcript-rebuilt; emitter-appended) ---
"""Pipeline reference for scband-ad-matcher-76605036691514 (READ-ONLY COPY).

The authoritative reference and input builder live on the scoring server;
editing this copy changes nothing except your own understanding.
"""

import jax, jax.numpy as jnp
import numpy as np

D = 128
H = 8
TOP_K = 128

def setup_inputs(seed: int = 0) -> dict:
    key = jax.random.key(seed)
    ks = jax.random.split(key, 12)
    def w(k, shape, scale=0.05):
        return jax.random.normal(k, shape, dtype=jnp.float32) * scale
    return {
        "query_emb": jax.random.normal(ks[0], (64, D), dtype=jnp.float32),
        "index_embs": jax.random.normal(ks[1], (1000000, D), dtype=jnp.float32),
        "Wq": w(ks[2], (D, D)), "bq": jnp.zeros((D,), jnp.float32),
        "Wd": w(ks[3], (D, D)), "bd": jnp.zeros((D,), jnp.float32),
        "Win": w(ks[4], (3 * D, D)), "bin_": jnp.zeros((3 * D,), jnp.float32),
        "Wo": w(ks[5], (D, D)), "bo": jnp.zeros((D,), jnp.float32),
        "W1": w(ks[6], (D // 2, D)), "b1": jnp.zeros((D // 2,), jnp.float32),
        "W2": w(ks[7], (1, D // 2)), "b2": jnp.zeros((1,), jnp.float32),
    }

def _mha(q, k, v, Win, bin_, Wo, bo, h):
    B, Lq, d = q.shape
    Lk = k.shape[1]
    dh = d // h
    Wq_, Wk_, Wv_ = Win[:d], Win[d:2 * d], Win[2 * d:]
    bq_, bk_, bv_ = bin_[:d], bin_[d:2 * d], bin_[2 * d:]
    qp = (q @ Wq_.T + bq_).reshape(B, Lq, h, dh).transpose(0, 2, 1, 3)
    kp = (k @ Wk_.T + bk_).reshape(B, Lk, h, dh).transpose(0, 2, 1, 3)
    vp = (v @ Wv_.T + bv_).reshape(B, Lk, h, dh).transpose(0, 2, 1, 3)
    att = jax.nn.softmax(qp @ kp.transpose(0, 1, 3, 2) / np.sqrt(dh).astype(np.float32), axis=-1)
    out = (att @ vp).transpose(0, 2, 1, 3).reshape(B, Lq, d)
    return out @ Wo.T + bo

def reference(query_emb, index_embs, Wq, bq, Wd, bd, Win, bin_, Wo, bo, W1, b1, W2, b2):
    # retrieve: cosine-style dot-product top-k
    scores = query_emb @ index_embs.T
    k = min(TOP_K, scores.shape[-1])
    top_scores, top_idx = jax.lax.top_k(scores, k)
    # gather candidates: index_embs[top_idx[b]] stacked over batch
    candidate_embs = jnp.take(index_embs, top_idx, axis=0)  # [B, k, D]
    # rerank via cross attention
    q = (query_emb @ Wq.T + bq)[:, None, :]        # [B, 1, D]
    d_ = candidate_embs @ Wd.T + bd                # [B, k, D]
    cross_out = _mha(q, d_, d_, Win, bin_, Wo, bo, H)  # [B, 1, D]
    hmid = jax.nn.relu(cross_out[:, 0, :] @ W1.T + b1)
    rerank_scores = (hmid @ W2.T + b2)[:, 0]
    return top_idx, top_scores, rerank_scores

if __name__ == "__main__":
    import jax
    _d = setup_inputs()
    print(jax.jit(kernel)(*tuple(_d.values())))

</pallas_src>

<mosaic_0001>
#map = affine_map<(d0, d1) -> (0, 0)>
#map1 = affine_map<(d0, d1) -> (0)>
module attributes {stable_mosaic.version = 14 : i64} {
  func.func @gk(%arg0: i32, %arg1: i32, %arg2: memref<1000000x128xf32, #tpu.memory_space<hbm>>, %arg3: memref<8192xi32, #tpu.memory_space<hbm>>, %arg4: memref<8192x128xf32, #tpu.memory_space<hbm>>, %arg5: memref<256xi32, #tpu.memory_space<vmem>>, %arg6: memref<256x128xf32, #tpu.memory_space<vmem>>, %arg7: memref<!tpu.dma_semaphore, #tpu.memory_space<semaphore_mem>>) attributes {dimension_semantics = [#tpu.dimension_semantics<core_parallel>, #tpu.dimension_semantics<subcore_parallel>], iteration_bounds = array<i64: 2, 16>, scalar_prefetch = 0 : i64, scratch_operands = 3 : i64, tpu.core_type = #tpu.core_type<sc_vector_subcore>, window_params = [{transform_indices = #map}, {transform_indices = #map1}, {transform_indices = #map}]} {
    %mul3A = arith.constant 2 : i32
    %mul3A_0 = arith.muli %arg1, %mul3A : i32
    %add3A = arith.addi %mul3A_0, %arg0 : i32
    %mul3A_1 = arith.constant 256 : i32
    %mul3A_2 = arith.muli %add3A, %mul3A_1 : i32
    "tpu.region"() ({
      %run_scoped3A = tpu.sem_alloc : memref<!tpu.dma_semaphore, #tpu.memory_space<semaphore_mem>>
      %dma_start3A_7 = tpu.memref_slice %arg3[%mul3A_2] : memref<8192xi32, #tpu.memory_space<hbm>> -> memref<256xi32, #tpu.memory_space<hbm>>
      %dma_start3A_8 = tpu.memref_slice %arg3[%mul3A_2] : memref<8192xi32, #tpu.memory_space<hbm>> -> memref<256xi32, #tpu.memory_space<hbm>>
      tpu.enqueue_dma source(%dma_start3A_8 : memref<256xi32, #tpu.memory_space<hbm>>) target(%arg5 : memref<256xi32, #tpu.memory_space<vmem>>) target_semaphore(%run_scoped3A : memref<!tpu.dma_semaphore, #tpu.memory_space<semaphore_mem>>)
      %dma_wait3A_9 = tpu.memref_slice %arg3[%mul3A_2] : memref<8192xi32, #tpu.memory_space<hbm>> -> memref<256xi32, #tpu.memory_space<hbm>>
      %dma_wait3A_10 = tpu.memref_slice %arg3[%mul3A_2] : memref<8192xi32, #tpu.memory_space<hbm>> -> memref<256xi32, #tpu.memory_space<hbm>>
      tpu.wait_dma2 semaphore(%run_scoped3A : memref<!tpu.dma_semaphore, #tpu.memory_space<semaphore_mem>>) src(%dma_wait3A_10 : memref<256xi32, #tpu.memory_space<hbm>>) dst(%arg5 : memref<256xi32, #tpu.memory_space<vmem>>)
      tpu.yield
    }) : () -> ()
    %dma_start3A = arith.constant 0 : i32
    %dma_start3A_3 = arith.constant 0 : i32
    %dma_start3A_4 = tpu.memref_slice %arg2[%dma_start3A, %dma_start3A_3] : memref<1000000x128xf32, #tpu.memory_space<hbm>> -> memref<1000000x128xf32, #tpu.memory_space<hbm>>
    tpu.enqueue_indirect_dma source(%dma_start3A_4 : memref<1000000x128xf32, #tpu.memory_space<hbm>>) target(%arg6 : memref<256x128xf32, #tpu.memory_space<vmem>>) offsets(%arg5 : memref<256xi32, #tpu.memory_space<vmem>>) semaphore(%arg7 : memref<!tpu.dma_semaphore, #tpu.memory_space<semaphore_mem>>)
    %dma_wait3A = arith.constant 0 : i32
    %dma_wait3A_5 = arith.constant 0 : i32
    %dma_wait3A_6 = tpu.memref_slice %arg2[%dma_wait3A, %dma_wait3A_5] : memref<1000000x128xf32, #tpu.memory_space<hbm>> -> memref<1000000x128xf32, #tpu.memory_space<hbm>>
    tpu.wait_indirect_dma semaphore(%arg7 : memref<!tpu.dma_semaphore, #tpu.memory_space<semaphore_mem>>) src(%dma_wait3A_6 : memref<1000000x128xf32, #tpu.memory_space<hbm>>) dst(%arg6 : memref<256x128xf32, #tpu.memory_space<vmem>>)
    "tpu.region"() ({
      %run_scoped3A = tpu.sem_alloc : memref<!tpu.dma_semaphore, #tpu.memory_space<semaphore_mem>>
      %dma_start3A_7 = arith.constant 0 : i32
      %dma_start3A_8 = tpu.memref_slice %arg4[%mul3A_2, %dma_start3A_7] : memref<8192x128xf32, #tpu.memory_space<hbm>> -> memref<256x128xf32, #tpu.memory_space<hbm>>
      %dma_start3A_9 = arith.constant 0 : i32
      %dma_start3A_10 = tpu.memref_slice %arg4[%mul3A_2, %dma_start3A_9] : memref<8192x128xf32, #tpu.memory_space<hbm>> -> memref<256x128xf32, #tpu.memory_space<hbm>>
      tpu.enqueue_dma source(%arg6 : memref<256x128xf32, #tpu.memory_space<vmem>>) target(%dma_start3A_10 : memref<256x128xf32, #tpu.memory_space<hbm>>) target_semaphore(%run_scoped3A : memref<!tpu.dma_semaphore, #tpu.memory_space<semaphore_mem>>)
      %dma_wait3A_11 = arith.constant 0 : i32
      %dma_wait3A_12 = tpu.memref_slice %arg4[%mul3A_2, %dma_wait3A_11] : memref<8192x128xf32, #tpu.memory_space<hbm>> -> memref<256x128xf32, #tpu.memory_space<hbm>>
      %dma_wait3A_13 = arith.constant 0 : i32
      %dma_wait3A_14 = tpu.memref_slice %arg4[%mul3A_2, %dma_wait3A_13] : memref<8192x128xf32, #tpu.memory_space<hbm>> -> memref<256x128xf32, #tpu.memory_space<hbm>>
      tpu.wait_dma2 semaphore(%run_scoped3A : memref<!tpu.dma_semaphore, #tpu.memory_space<semaphore_mem>>) src(%arg6 : memref<256x128xf32, #tpu.memory_space<vmem>>) dst(%dma_wait3A_14 : memref<256x128xf32, #tpu.memory_space<hbm>>)
      tpu.yield
    }) : () -> ()
    return
  }
}

module attributes {stable_mosaic.version = 14 : i64} {
  func.func @_rerank_body(%arg0: memref<64x128xf32, #tpu.memory_space<vmem>>, %arg1: memref<8192x128xf32, #tpu.memory_space<vmem>>, %arg2: memref<128x128xf32, #tpu.memory_space<vmem>>, %arg3: memref<128xf32, #tpu.memory_space<vmem>>, %arg4: memref<128x128xf32, #tpu.memory_space<vmem>>, %arg5: memref<128xf32, #tpu.memory_space<vmem>>, %arg6: memref<384x128xf32, #tpu.memory_space<vmem>>, %arg7: memref<384xf32, #tpu.memory_space<vmem>>, %arg8: memref<128x128xf32, #tpu.memory_space<vmem>>, %arg9: memref<128xf32, #tpu.memory_space<vmem>>, %arg10: memref<64x128xf32, #tpu.memory_space<vmem>>, %arg11: memref<64xf32, #tpu.memory_space<vmem>>, %arg12: memref<1x64xf32, #tpu.memory_space<vmem>>, %arg13: memref<1xf32, #tpu.memory_space<vmem>>, %arg14: memref<64x1xf32, #tpu.memory_space<vmem>>) attributes {dimension_semantics = [], scalar_prefetch = 0 : i64, scratch_operands = 0 : i64, tpu.core_type = #tpu.core_type<tc>} {
    %get3A = arith.constant 0 : index
    %get3A_0 = arith.constant 0 : index
    %get3A_1 = vector.load %arg0[%get3A, %get3A_0] : memref<64x128xf32, #tpu.memory_space<vmem>>, vector<64x128xf32>
    %get3A_2 = arith.constant 0 : index
    %get3A_3 = arith.constant 0 : index
    %get3A_4 = vector.load %arg1[%get3A_2, %get3A_3] : memref<8192x128xf32, #tpu.memory_space<vmem>>, vector<8192x128xf32>
    %get3A_5 = arith.constant 0 : index
    %get3A_6 = arith.constant 0 : index
    %get3A_7 = vector.load %arg2[%get3A_5, %get3A_6] : memref<128x128xf32, #tpu.memory_space<vmem>>, vector<128x128xf32>
    %dot_general3A = arith.constant dense<0.000000e+00> : vector<64x128xf32>
    %dot_general3A_8 = tpu.matmul %get3A_1, %get3A_7, %dot_general3A {dimension_numbers = #tpu.dot_dimension_numbers<[1], [1], [0], [0], [0, 0, 1, 0], [], []>, transpose_lhs_hint = false} : vector<64x128xf32>, vector<128x128xf32>, vector<64x128xf32> -> vector<64x128xf32>
    %get3A_9 = arith.constant 0 : index
    %get3A_10 = vector.load %arg3[%get3A_9] : memref<128xf32, #tpu.memory_space<vmem>>, vector<128xf32>
    %broadcast_in_dim3A = vector.shape_cast %get3A_10 : vector<128xf32> to vector<1x128xf32>
    %add3A = vector.broadcast %broadcast_in_dim3A : vector<1x128xf32> to vector<64x128xf32>
    %add3A_11 = arith.addf %dot_general3A_8, %add3A : vector<64x128xf32>
    %get3A_12 = arith.constant 0 : index
    %get3A_13 = arith.constant 0 : index
    %get3A_14 = vector.load %arg4[%get3A_12, %get3A_13] : memref<128x128xf32, #tpu.memory_space<vmem>>, vector<128x128xf32>
    %dot_general3A_15 = arith.constant dense<0.000000e+00> : vector<8192x128xf32>
    %dot_general3A_16 = tpu.matmul %get3A_4, %get3A_14, %dot_general3A_15 {dimension_numbers = #tpu.dot_dimension_numbers<[1], [1], [0], [0], [0, 0, 1, 0], [], []>, transpose_lhs_hint = false} : vector<8192x128xf32>, vector<128x128xf32>, vector<8192x128xf32> -> vector<8192x128xf32>
    %get3A_17 = arith.constant 0 : index
    %get3A_18 = vector.load %arg5[%get3A_17] : memref<128xf32, #tpu.memory_space<vmem>>, vector<128xf32>
    %broadcast_in_dim3A_19 = vector.shape_cast %get3A_18 : vector<128xf32> to vector<1x128xf32>
    %add3A_20 = vector.broadcast %broadcast_in_dim3A_19 : vector<1x128xf32> to vector<8192x128xf32>
    %add3A_21 = arith.addf %dot_general3A_16, %add3A_20 : vector<8192x128xf32>
    %get3A_22 = arith.constant 0 : index
    %get3A_23 = arith.constant 0 : index
    %get3A_24 = vector.load %arg6[%get3A_22, %get3A_23] : memref<384x128xf32, #tpu.memory_space<vmem>>, vector<384x128xf32>
    %get3A_25 = arith.constant 0 : index
    %get3A_26 = vector.load %arg7[%get3A_25] : memref<384xf32, #tpu.memory_space<vmem>>, vector<384xf32>
    %slice3A = vector.extract_strided_slice %get3A_24 {offsets = [0, 0], sizes = [128, 128], strides = [1, 1]} : vector<384x128xf32> to vector<128x128xf32>
    %dot_general3A_27 = arith.constant dense<0.000000e+00> : vector<64x128xf32>
    %dot_general3A_28 = tpu.matmul %add3A_11, %slice3A, %dot_general3A_27 {dimension_numbers = #tpu.dot_dimension_numbers<[1], [1], [0], [0], [0, 0, 1, 0], [], []>, transpose_lhs_hint = false} : vector<64x128xf32>, vector<128x128xf32>, vector<64x128xf32> -> vector<64x128xf32>
    %slice3A_29 = vector.extract_strided_slice %get3A_26 {offsets = [0], sizes = [128], strides = [1]} : vector<384xf32> to vector<128xf32>
    %broadcast_in_dim3A_30 = vector.shape_cast %slice3A_29 : vector<128xf32> to vector<1x128xf32>
    %add3A_31 = vector.broadcast %broadcast_in_dim3A_30 : vector<1x128xf32> to vector<64x128xf32>
    %add3A_32 = arith.addf %dot_general3A_28, %add3A_31 : vector<64x128xf32>
    %slice3A_33 = vector.extract_strided_slice %get3A_24 {offsets = [128, 0], sizes = [128, 128], strides = [1, 1]} : vector<384x128xf32> to vector<128x128xf32>
    %dot_general3A_34 = arith.constant dense<0.000000e+00> : vector<8192x128xf32>
    %dot_general3A_35 = tpu.matmul %add3A_21, %slice3A_33, %dot_general3A_34 {dimension_numbers = #tpu.dot_dimension_numbers<[1], [1], [0], [0], [0, 0, 1, 0], [], []>, transpose_lhs_hint = false} : vector<8192x128xf32>, vector<128x128xf32>, vector<8192x128xf32> -> vector<8192x128xf32>
    %slice3A_36 = vector.extract_strided_slice %get3A_26 {offsets = [128], sizes = [128], strides = [1]} : vector<384xf32> to vector<128xf32>
    %broadcast_in_dim3A_37 = vector.shape_cast %slice3A_36 : vector<128xf32> to vector<1x128xf32>
    %add3A_38 = vector.broadcast %broadcast_in_dim3A_37 : vector<1x128xf32> to vector<8192x128xf32>
    %add3A_39 = arith.addf %dot_general3A_35, %add3A_38 : vector<8192x128xf32>
    %slice3A_40 = vector.extract_strided_slice %get3A_24 {offsets = [256, 0], sizes = [128, 128], strides = [1, 1]} : vector<384x128xf32> to vector<128x128xf32>
    %dot_general3A_41 = arith.constant dense<0.000000e+00> : vector<8192x128xf32>
    %dot_general3A_42 = tpu.matmul %add3A_21, %slice3A_40, %dot_general3A_41 {dimension_numbers = #tpu.dot_dimension_numbers<[1], [1], [0], [0], [0, 0, 1, 0], [], []>, transpose_lhs_hint = false} : vector<8192x128xf32>, vector<128x128xf32>, vector<8192x128xf32> -> vector<8192x128xf32>
    %slice3A_43 = vector.extract_strided_slice %get3A_26 {offsets = [256], sizes = [128], strides = [1]} : vector<384xf32> to vector<128xf32>
    %broadcast_in_dim3A_44 = vector.shape_cast %slice3A_43 : vector<128xf32> to vector<1x128xf32>
    %add3A_45 = vector.broadcast %broadcast_in_dim3A_44 : vector<1x128xf32> to vector<8192x128xf32>
    %add3A_46 = arith.addf %dot_general3A_42, %add3A_45 : vector<8192x128xf32>
    %iota3A = tpu.iota {dimensions = array<i32: 0>} : vector<128x8xi32>
    %iota3A_47 = tpu.iota {dimensions = array<i32: 1>} : vector<128x8xi32>
    %jit3A = arith.constant 16 : i32
    %div3A = vector.broadcast %jit3A : i32 to vector<128x8xi32>
    %div3A_48 = arith.divsi %iota3A, %div3A : vector<128x8xi32>
    %sign3A = arith.constant 0 : i32
    %sign3A_49 = vector.broadcast %sign3A : i32 to vector<128x8xi32>
    %sign3A_50 = arith.cmpi sgt, %iota3A, %sign3A_49 : vector<128x8xi32>
    %sign3A_51 = arith.extui %sign3A_50 : vector<128x8xi1> to vector<128x8xi32>
    %sign3A_52 = arith.constant 0 : i32
    %sign3A_53 = vector.broadcast %sign3A_52 : i32 to vector<128x8xi32>
    %sign3A_54 = arith.cmpi slt, %iota3A, %sign3A_53 : vector<128x8xi32>
    %sign3A_55 = arith.extui %sign3A_54 : vector<128x8xi1> to vector<128x8xi32>
    %sign3A_56 = arith.subi %sign3A_51, %sign3A_55 : vector<128x8xi32>
    %sign3A_57 = arith.constant 0 : i32
    %sign3A_58 = arith.cmpi sgt, %jit3A, %sign3A_57 : i32
    %sign3A_59 = arith.extui %sign3A_58 : i1 to i32
    %sign3A_60 = arith.constant 0 : i32
    %sign3A_61 = arith.cmpi slt, %jit3A, %sign3A_60 : i32
    %sign3A_62 = arith.extui %sign3A_61 : i1 to i32
    %sign3A_63 = arith.subi %sign3A_59, %sign3A_62 : i32
    %ne3A = vector.broadcast %sign3A_63 : i32 to vector<128x8xi32>
    %ne3A_64 = arith.cmpi ne, %sign3A_56, %ne3A : vector<128x8xi32>
    %rem3A = vector.broadcast %jit3A : i32 to vector<128x8xi32>
    %rem3A_65 = arith.remsi %iota3A, %rem3A : vector<128x8xi32>
    %ne3A_66 = arith.constant 0 : i32
    %ne3A_67 = vector.broadcast %ne3A_66 : i32 to vector<128x8xi32>
    %ne3A_68 = arith.cmpi ne, %rem3A_65, %ne3A_67 : vector<128x8xi32>
    %and3A = arith.andi %ne3A_64, %ne3A_68 : vector<128x8xi1>
    %sub3A = arith.constant 1 : i32
    %sub3A_69 = vector.broadcast %sub3A : i32 to vector<128x8xi32>
    %sub3A_70 = arith.subi %div3A_48, %sub3A_69 : vector<128x8xi32>
    %select_n3A = arith.select %and3A, %sub3A_70, %div3A_48 : vector<128x8xi1>, vector<128x8xi32>
    %eq3A = arith.cmpi eq, %select_n3A, %iota3A_47 : vector<128x8xi32>
    %convert_element_type3A = arith.extui %eq3A : vector<128x8xi1> to vector<128x8xi32>
    %convert_element_type3A_71 = arith.sitofp %convert_element_type3A : vector<128x8xi32> to vector<128x8xf32>
    %reshape3A = vector.shape_cast %add3A_39 : vector<8192x128xf32> to vector<64x128x128xf32>
    %broadcast_in_dim3A_72 = vector.shape_cast %add3A_32 : vector<64x128xf32> to vector<64x1x128xf32>
    %mul3A = vector.broadcast %broadcast_in_dim3A_72 : vector<64x1x128xf32> to vector<64x128x128xf32>
    %mul3A_73 = arith.mulf %reshape3A, %mul3A : vector<64x128x128xf32>
    %reshape3A_74 = vector.shape_cast %mul3A_73 : vector<64x128x128xf32> to vector<8192x128xf32>
    %dot_general3A_75 = arith.constant dense<0.000000e+00> : vector<8192x8xf32>
    %dot_general3A_76 = tpu.matmul %reshape3A_74, %convert_element_type3A_71, %dot_general3A_75 {dimension_numbers = #tpu.dot_dimension_numbers<[1], [0], [0], [1], [0, 0, 1, 1], [], []>, transpose_lhs_hint = false} : vector<8192x128xf32>, vector<128x8xf32>, vector<8192x8xf32> -> vector<8192x8xf32>
    %sqrt3A = arith.constant 1.600000e+01 : f32
    %sqrt3A_77 = math.sqrt %sqrt3A : f32
    %div3A_78 = arith.constant 1.000000e+00 : f32
    %div3A_79 = arith.divf %div3A_78, %sqrt3A_77 : f32
    %mul3A_80 = vector.broadcast %div3A_79 : f32 to vector<8192x8xf32>
    %mul3A_81 = arith.mulf %dot_general3A_76, %mul3A_80 : vector<8192x8xf32>
    %reshape3A_82 = vector.shape_cast %mul3A_81 : vector<8192x8xf32> to vector<64x128x8xf32>
    %reduce_max3A = arith.constant dense<0xFF800000> : vector<64x8xf32>
    %reduce_max3A_83 = vector.multi_reduction <maximumf>, %reshape3A_82, %reduce_max3A [1] : vector<64x128x8xf32> to vector<64x8xf32>
    %broadcast_in_dim3A_84 = vector.shape_cast %reduce_max3A_83 : vector<64x8xf32> to vector<64x1x8xf32>
    %sub3A_85 = vector.broadcast %broadcast_in_dim3A_84 : vector<64x1x8xf32> to vector<64x128x8xf32>
    %sub3A_86 = arith.subf %reshape3A_82, %sub3A_85 : vector<64x128x8xf32>
    %exp3A = math.exp %sub3A_86 : vector<64x128x8xf32>
    %reduce_sum3A = arith.constant dense<0.000000e+00> : vector<64x8xf32>
    %reduce_sum3A_87 = vector.multi_reduction <add>, %exp3A, %reduce_sum3A [1] : vector<64x128x8xf32> to vector<64x8xf32>
    %broadcast_in_dim3A_88 = vector.shape_cast %reduce_sum3A_87 : vector<64x8xf32> to vector<64x1x8xf32>
    %div3A_89 = vector.broadcast %broadcast_in_dim3A_88 : vector<64x1x8xf32> to vector<64x128x8xf32>
    %div3A_90 = arith.divf %exp3A, %div3A_89 : vector<64x128x8xf32>
    %reshape3A_91 = vector.shape_cast %div3A_90 : vector<64x128x8xf32> to vector<8192x8xf32>
    %dot_general3A_92 = arith.constant dense<0.000000e+00> : vector<8192x128xf32>
    %dot_general3A_93 = tpu.matmul %reshape3A_91, %convert_element_type3A_71, %dot_general3A_92 {dimension_numbers = #tpu.dot_dimension_numbers<[1], [1], [0], [0], [0, 0, 1, 0], [], []>, transpose_lhs_hint = false} : vector<8192x8xf32>, vector<128x8xf32>, vector<8192x128xf32> -> vector<8192x128xf32>
    %mul3A_94 = arith.mulf %dot_general3A_93, %add3A_46 : vector<8192x128xf32>
    %reshape3A_95 = vector.shape_cast %mul3A_94 : vector<8192x128xf32> to vector<64x128x128xf32>
    %reduce_sum3A_96 = arith.constant dense<0.000000e+00> : vector<64x128xf32>
    %reduce_sum3A_97 = vector.multi_reduction <add>, %reshape3A_95, %reduce_sum3A_96 [1] : vector<64x128x128xf32> to vector<64x128xf32>
    %get3A_98 = arith.constant 0 : index
    %get3A_99 = arith.constant 0 : index
    %get3A_100 = vector.load %arg8[%get3A_98, %get3A_99] : memref<128x128xf32, #tpu.memory_space<vmem>>, vector<128x128xf32>
    %dot_general3A_101 = arith.constant dense<0.000000e+00> : vector<64x128xf32>
    %dot_general3A_102 = tpu.matmul %reduce_sum3A_97, %get3A_100, %dot_general3A_101 {dimension_numbers = #tpu.dot_dimension_numbers<[1], [1], [0], [0], [0, 0, 1, 0], [], []>, transpose_lhs_hint = false} : vector<64x128xf32>, vector<128x128xf32>, vector<64x128xf32> -> vector<64x128xf32>
    %get3A_103 = arith.constant 0 : index
    %get3A_104 = vector.load %arg9[%get3A_103] : memref<128xf32, #tpu.memory_space<vmem>>, vector<128xf32>
    %broadcast_in_dim3A_105 = vector.shape_cast %get3A_104 : vector<128xf32> to vector<1x128xf32>
    %add3A_106 = vector.broadcast %broadcast_in_dim3A_105 : vector<1x128xf32> to vector<64x128xf32>
    %add3A_107 = arith.addf %dot_general3A_102, %add3A_106 : vector<64x128xf32>
    %get3A_108 = arith.constant 0 : index
    %get3A_109 = arith.constant 0 : index
    %get3A_110 = vector.load %arg10[%get3A_108, %get3A_109] : memref<64x128xf32, #tpu.memory_space<vmem>>, vector<64x128xf32>
    %dot_general3A_111 = arith.constant dense<0.000000e+00> : vector<64x64xf32>
    %dot_general3A_112 = tpu.matmul %add3A_107, %get3A_110, %dot_general3A_111 {dimension_numbers = #tpu.dot_dimension_numbers<[1], [1], [0], [0], [0, 0, 1, 0], [], []>, transpose_lhs_hint = false} : vector<64x128xf32>, vector<64x128xf32>, vector<64x64xf32> -> vector<64x64xf32>
    %get3A_113 = arith.constant 0 : index
    %get3A_114 = vector.load %arg11[%get3A_113] : memref<64xf32, #tpu.memory_space<vmem>>, vector<64xf32>
    %broadcast_in_dim3A_115 = vector.shape_cast %get3A_114 : vector<64xf32> to vector<1x64xf32>
    %add3A_116 = vector.broadcast %broadcast_in_dim3A_115 : vector<1x64xf32> to vector<64x64xf32>
    %add3A_117 = arith.addf %dot_general3A_112, %add3A_116 : vector<64x64xf32>
    %max3A = arith.constant 0.000000e+00 : f32
    %max3A_118 = vector.broadcast %max3A : f32 to vector<64x64xf32>
    %max3A_119 = arith.maximumf %add3A_117, %max3A_118 : vector<64x64xf32>
    %get3A_120 = arith.constant 0 : index
    %get3A_121 = arith.constant 0 : index
    %get3A_122 = vector.load %arg12[%get3A_120, %get3A_121] : memref<1x64xf32, #tpu.memory_space<vmem>>, vector<1x64xf32>
    %mul3A_123 = vector.broadcast %get3A_122 : vector<1x64xf32> to vector<64x64xf32>
    %mul3A_124 = arith.mulf %max3A_119, %mul3A_123 : vector<64x64xf32>
    %reduce_sum3A_125 = arith.constant dense<0.000000e+00> : vector<64xf32>
    %reduce_sum3A_126 = vector.multi_reduction <add>, %mul3A_124, %reduce_sum3A_125 [1] : vector<64x64xf32> to vector<64xf32>
    %broadcast_in_dim3A_127 = vector.shape_cast %reduce_sum3A_126 : vector<64xf32> to vector<64x1xf32>
    %get3A_128 = arith.constant 0 : index
    %get3A_129 = vector.load %arg13[%get3A_128] : memref<1xf32, #tpu.memory_space<vmem>>, vector<1xf32>
    %get3A_130 = vector.extract %get3A_129[0] : f32 from vector<1xf32>
    %add3A_131 = vector.broadcast %get3A_130 : f32 to vector<64x1xf32>
    %add3A_132 = arith.addf %broadcast_in_dim3A_127, %add3A_131 : vector<64x1xf32>
    %swap3A = arith.constant 0 : index
    %swap3A_133 = arith.constant 0 : index
    %swap3A_134 = vector.load %arg14[%swap3A, %swap3A_133] : memref<64x1xf32, #tpu.memory_space<vmem>>, vector<64x1xf32>
    tpu.vector_store %arg14[%swap3A, %swap3A_133], %add3A_132 {strides = array<i32>} : memref<64x1xf32, #tpu.memory_space<vmem>>, vector<64x1xf32>,
    return
  }
}

module attributes {stable_mosaic.version = 14 : i64} {
  func.func @_topk_step(%arg0: i32, %arg1: memref<64x128xf32, #tpu.memory_space<vmem>>, %arg2: memref<1000x128xf32, #tpu.memory_space<vmem>>, %arg3: memref<64x128xf32, #tpu.memory_space<vmem>>, %arg4: memref<64x128xi32, #tpu.memory_space<vmem>>) attributes {dimension_semantics = [#tpu.dimension_semantics<arbitrary>], iteration_bounds = array<i64: 1000>, scalar_prefetch = 0 : i64, scratch_operands = 0 : i64, tpu.core_type = #tpu.core_type<tc>, window_params = [{pipeline_mode = #tpu.pipeline_mode<synchronous>, transform_indices = @transform_0, window_bounds = array<i64: 64, 128>}, {transform_indices = @transform_1, window_bounds = array<i64: 1000, 128>}, {pipeline_mode = #tpu.pipeline_mode<synchronous>, transform_indices = @transform_2, window_bounds = array<i64: 64, 128>}, {pipeline_mode = #tpu.pipeline_mode<synchronous>, transform_indices = @transform_3, window_bounds = array<i64: 64, 128>}]} {
    %eq3A = arith.constant 0 : i32
    %eq3A_0 = arith.cmpi eq, %arg0, %eq3A : i32
    %convert_element_type3A = arith.extui %eq3A_0 : i1 to i32
    %cond3A = arith.constant 0 : i32
    %cond3A_1 = arith.cmpi ne, %convert_element_type3A, %cond3A : i32
    scf.if %cond3A_1 {
      %broadcast_in_dim3A = arith.constant 0xFF800000 : f32
      %broadcast_in_dim3A_32 = vector.broadcast %broadcast_in_dim3A : f32 to vector<64x128xf32>
      %swap3A_33 = arith.constant 0 : index
      %swap3A_34 = arith.constant 0 : index
      %swap3A_35 = vector.load %arg3[%swap3A_33, %swap3A_34] : memref<64x128xf32, #tpu.memory_space<vmem>>, vector<64x128xf32>
      tpu.vector_store %arg3[%swap3A_33, %swap3A_34], %broadcast_in_dim3A_32 {strides = array<i32>} : memref<64x128xf32, #tpu.memory_space<vmem>>, vector<64x128xf32>,
      %broadcast_in_dim3A_36 = arith.constant 0 : i32
      %broadcast_in_dim3A_37 = vector.broadcast %broadcast_in_dim3A_36 : i32 to vector<64x128xi32>
      %swap3A_38 = arith.constant 0 : index
      %swap3A_39 = arith.constant 0 : index
      %swap3A_40 = vector.load %arg4[%swap3A_38, %swap3A_39] : memref<64x128xi32, #tpu.memory_space<vmem>>, vector<64x128xi32>
      tpu.vector_store %arg4[%swap3A_38, %swap3A_39], %broadcast_in_dim3A_37 {strides = array<i32>} : memref<64x128xi32, #tpu.memory_space<vmem>>, vector<64x128xi32>,
    } else {
    }
    %get3A = arith.constant 0 : index
    %get3A_2 = arith.constant 0 : index
    %get3A_3 = vector.load %arg1[%get3A, %get3A_2] : memref<64x128xf32, #tpu.memory_space<vmem>>, vector<64x128xf32>
    %get3A_4 = arith.constant 0 : index
    %get3A_5 = arith.constant 0 : index
    %get3A_6 = vector.load %arg2[%get3A_4, %get3A_5] : memref<1000x128xf32, #tpu.memory_space<vmem>>, vector<1000x128xf32>
    %dot_general3A = arith.constant dense<0.000000e+00> : vector<64x1000xf32>
    %dot_general3A_7 = tpu.matmul %get3A_3, %get3A_6, %dot_general3A {dimension_numbers = #tpu.dot_dimension_numbers<[1], [1], [0], [0], [0, 0, 1, 0], [], []>, transpose_lhs_hint = false} : vector<64x128xf32>, vector<1000x128xf32>, vector<64x1000xf32> -> vector<64x1000xf32>
    %iota3A = tpu.iota {dimensions = array<i32: 1>} : vector<64x1000xi32>
    %iota3A_8 = tpu.iota {dimensions = array<i32: 1>} : vector<64x128xi32>
    %get3A_9 = arith.constant 0 : index
    %get3A_10 = arith.constant 0 : index
    %get3A_11 = vector.load %arg3[%get3A_9, %get3A_10] : memref<64x128xf32, #tpu.memory_space<vmem>>, vector<64x128xf32>
    %get3A_12 = arith.constant 0 : index
    %get3A_13 = arith.constant 0 : index
    %get3A_14 = vector.load %arg4[%get3A_12, %get3A_13] : memref<64x128xi32, #tpu.memory_space<vmem>>, vector<64x128xi32>
    %slice3A = vector.extract_strided_slice %get3A_11 {offsets = [0, 127], sizes = [64, 1], strides = [1, 1]} : vector<64x128xf32> to vector<64x1xf32>
    %gt3A = vector.broadcast %slice3A : vector<64x1xf32> to vector<64x1000xf32>
    %gt3A_15 = arith.cmpf ogt, %dot_general3A_7, %gt3A : vector<64x1000xf32>
    %reduce_or3A = arith.constant 1.000000e+00 : f32
    %reduce_or3A_16 = arith.constant 0.000000e+00 : f32
    %reduce_or3A_17 = vector.broadcast %reduce_or3A : f32 to vector<64x1000xf32>
    %reduce_or3A_18 = vector.broadcast %reduce_or3A_16 : f32 to vector<64x1000xf32>
    %reduce_or3A_19 = arith.select %gt3A_15, %reduce_or3A_17, %reduce_or3A_18 : vector<64x1000xi1>, vector<64x1000xf32>
    %reduce_or3A_20 = vector.shape_cast %reduce_or3A_19 : vector<64x1000xf32> to vector<1x64x1000xf32>
    %reduce_or3A_21 = arith.constant dense<0xFF800000> : vector<1xf32>
    %reduce_or3A_22 = vector.multi_reduction <maximumf>, %reduce_or3A_20, %reduce_or3A_21 [1, 2] : vector<1x64x1000xf32> to vector<1xf32>
    %reduce_or3A_23 = vector.shape_cast %reduce_or3A_22 : vector<1xf32> to vector<1x1x1xf32>
    %reduce_or3A_24 = vector.extract %reduce_or3A_23[0, 0, 0] : f32 from vector<1x1x1xf32>
    %reduce_or3A_25 = arith.constant 0.000000e+00 : f32
    %reduce_or3A_26 = arith.cmpf ogt, %reduce_or3A_24, %reduce_or3A_25 : f32
    %while3A:4 = scf.while (%while3A_32 = %reduce_or3A_26, %while3A_33 = %get3A_11, %while3A_34 = %get3A_14, %while3A_35 = %dot_general3A_7) : (i1, vector<64x128xf32>, vector<64x128xi32>, vector<64x1000xf32>) -> (i1, vector<64x128xf32>, vector<64x128xi32>, vector<64x1000xf32>) {
      scf.condition(%while3A_32) %while3A_32, %while3A_33, %while3A_34, %while3A_35 : i1, vector<64x128xf32>, vector<64x128xi32>, vector<64x1000xf32>
    } do {
    ^bb0(%while3A_32: i1, %while3A_33: vector<64x128xf32>, %while3A_34: vector<64x128xi32>, %while3A_35: vector<64x1000xf32>):
      %slice3A_36 = vector.extract_strided_slice %while3A_33 {offsets = [0, 127], sizes = [64, 1], strides = [1, 1]} : vector<64x128xf32> to vector<64x1xf32>
      %gt3A_37 = vector.broadcast %slice3A_36 : vector<64x1xf32> to vector<64x1000xf32>
      %gt3A_38 = arith.cmpf ogt, %while3A_35, %gt3A_37 : vector<64x1000xf32>
      %jit3A = arith.constant 0xFF800000 : f32
      %broadcast_in_dim3A = vector.broadcast %jit3A : f32 to vector<64x1000xf32>
      %select_n3A = arith.select %gt3A_38, %while3A_35, %broadcast_in_dim3A : vector<64x1000xi1>, vector<64x1000xf32>
      %reduce_max3A = arith.constant dense<0xFF800000> : vector<64xf32>
      %reduce_max3A_39 = vector.multi_reduction <maximumf>, %select_n3A, %reduce_max3A [1] : vector<64x1000xf32> to vector<64xf32>
      %broadcast_in_dim3A_40 = vector.shape_cast %reduce_max3A_39 : vector<64xf32> to vector<64x1xf32>
      %gt3A_41 = arith.cmpf ogt, %broadcast_in_dim3A_40, %slice3A_36 : vector<64x1xf32>
      %eq3A_42 = vector.broadcast %broadcast_in_dim3A_40 : vector<64x1xf32> to vector<64x1000xf32>
      %eq3A_43 = arith.cmpf oeq, %select_n3A, %eq3A_42 : vector<64x1000xf32>
      %jit3A_44 = arith.constant 1000 : i32
      %broadcast_in_dim3A_45 = vector.broadcast %jit3A_44 : i32 to vector<64x1000xi32>
      %select_n3A_46 = arith.select %eq3A_43, %iota3A, %broadcast_in_dim3A_45 : vector<64x1000xi1>, vector<64x1000xi32>
      %reduce_min3A = arith.constant dense<2147483647> : vector<64xi32>
      %reduce_min3A_47 = vector.multi_reduction <minsi>, %select_n3A_46, %reduce_min3A [1] : vector<64x1000xi32> to vector<64xi32>
      %broadcast_in_dim3A_48 = vector.shape_cast %reduce_min3A_47 : vector<64xi32> to vector<64x1xi32>
      %mul3A = arith.constant 1000 : i32
      %mul3A_49 = arith.muli %arg0, %mul3A : i32
      %add3A = vector.broadcast %mul3A_49 : i32 to vector<64x1xi32>
      %add3A_50 = arith.addi %add3A, %broadcast_in_dim3A_48 : vector<64x1xi32>
      %eq3A_51 = vector.broadcast %broadcast_in_dim3A_48 : vector<64x1xi32> to vector<64x1000xi32>
      %eq3A_52 = arith.cmpi eq, %iota3A, %eq3A_51 : vector<64x1000xi32>
      %and3A = vector.broadcast %gt3A_41 : vector<64x1xi1> to vector<64x1000xi1>
      %and3A_53 = arith.andi %eq3A_52, %and3A : vector<64x1000xi1>
      %jit3A_54 = arith.constant 0xFF800000 : f32
      %broadcast_in_dim3A_55 = vector.broadcast %jit3A_54 : f32 to vector<64x1000xf32>
      %select_n3A_56 = arith.select %and3A_53, %broadcast_in_dim3A_55, %while3A_35 : vector<64x1000xi1>, vector<64x1000xf32>
      %ge3A = vector.broadcast %broadcast_in_dim3A_40 : vector<64x1xf32> to vector<64x128xf32>
      %ge3A_57 = arith.cmpf oge, %while3A_33, %ge3A : vector<64x128xf32>
      %convert_element_type3A_58 = arith.extui %ge3A_57 : vector<64x128xi1> to vector<64x128xi32>
      %reduce_sum3A = arith.constant dense<0> : vector<64xi32>
      %reduce_sum3A_59 = vector.multi_reduction <add>, %convert_element_type3A_58, %reduce_sum3A [1] : vector<64x128xi32> to vector<64xi32>
      %broadcast_in_dim3A_60 = vector.shape_cast %reduce_sum3A_59 : vector<64xi32> to vector<64x1xi32>
      %slice3A_61 = vector.extract_strided_slice %while3A_33 {offsets = [0, 0], sizes = [64, 1], strides = [1, 1]} : vector<64x128xf32> to vector<64x1xf32>
      %slice3A_62 = vector.extract_strided_slice %while3A_33 {offsets = [0, 0], sizes = [64, 127], strides = [1, 1]} : vector<64x128xf32> to vector<64x127xf32>
      %concatenate3A = tpu.concatenate %slice3A_61, %slice3A_62 in 1 : vector<64x1xf32>, vector<64x127xf32> -> vector<64x128xf32>
      %slice3A_63 = vector.extract_strided_slice %while3A_34 {offsets = [0, 0], sizes = [64, 1], strides = [1, 1]} : vector<64x128xi32> to vector<64x1xi32>
      %slice3A_64 = vector.extract_strided_slice %while3A_34 {offsets = [0, 0], sizes = [64, 127], strides = [1, 1]} : vector<64x128xi32> to vector<64x127xi32>
      %concatenate3A_65 = tpu.concatenate %slice3A_63, %slice3A_64 in 1 : vector<64x1xi32>, vector<64x127xi32> -> vector<64x128xi32>
      %lt3A = vector.broadcast %broadcast_in_dim3A_60 : vector<64x1xi32> to vector<64x128xi32>
      %lt3A_66 = arith.cmpi slt, %iota3A_8, %lt3A : vector<64x128xi32>
      %eq3A_67 = vector.broadcast %broadcast_in_dim3A_60 : vector<64x1xi32> to vector<64x128xi32>
      %eq3A_68 = arith.cmpi eq, %iota3A_8, %eq3A_67 : vector<64x128xi32>
      %broadcast_in_dim3A_69 = vector.shape_cast %broadcast_in_dim3A_40 : vector<64x1xf32> to vector<64x1xf32>
      %broadcast_in_dim3A_70 = vector.broadcast %broadcast_in_dim3A_69 : vector<64x1xf32> to vector<64x128xf32>
      %select_n3A_71 = arith.select %eq3A_68, %broadcast_in_dim3A_70, %concatenate3A : vector<64x128xi1>, vector<64x128xf32>
      %select_n3A_72 = arith.select %lt3A_66, %while3A_33, %select_n3A_71 : vector<64x128xi1>, vector<64x128xf32>
      %lt3A_73 = vector.broadcast %broadcast_in_dim3A_60 : vector<64x1xi32> to vector<64x128xi32>
      %lt3A_74 = arith.cmpi slt, %iota3A_8, %lt3A_73 : vector<64x128xi32>
      %eq3A_75 = vector.broadcast %broadcast_in_dim3A_60 : vector<64x1xi32> to vector<64x128xi32>
      %eq3A_76 = arith.cmpi eq, %iota3A_8, %eq3A_75 : vector<64x128xi32>
      %broadcast_in_dim3A_77 = vector.shape_cast %add3A_50 : vector<64x1xi32> to vector<64x1xi32>
      %broadcast_in_dim3A_78 = vector.broadcast %broadcast_in_dim3A_77 : vector<64x1xi32> to vector<64x128xi32>
      %select_n3A_79 = arith.select %eq3A_76, %broadcast_in_dim3A_78, %concatenate3A_65 : vector<64x128xi1>, vector<64x128xi32>
      %select_n3A_80 = arith.select %lt3A_74, %while3A_34, %select_n3A_79 : vector<64x128xi1>, vector<64x128xi32>
      %broadcast_in_dim3A_81 = vector.shape_cast %gt3A_41 : vector<64x1xi1> to vector<64x1xi1>
      %broadcast_in_dim3A_82 = vector.broadcast %broadcast_in_dim3A_81 : vector<64x1xi1> to vector<64x128xi1>
      %select_n3A_83 = arith.select %broadcast_in_dim3A_82, %select_n3A_72, %while3A_33 : vector<64x128xi1>, vector<64x128xf32>
      %broadcast_in_dim3A_84 = vector.shape_cast %gt3A_41 : vector<64x1xi1> to vector<64x1xi1>
      %broadcast_in_dim3A_85 = vector.broadcast %broadcast_in_dim3A_84 : vector<64x1xi1> to vector<64x128xi1>
      %select_n3A_86 = arith.select %broadcast_in_dim3A_85, %select_n3A_80, %while3A_34 : vector<64x128xi1>, vector<64x128xi32>
      %slice3A_87 = vector.extract_strided_slice %select_n3A_83 {offsets = [0, 127], sizes = [64, 1], strides = [1, 1]} : vector<64x128xf32> to vector<64x1xf32>
      %gt3A_88 = vector.broadcast %slice3A_87 : vector<64x1xf32> to vector<64x1000xf32>
      %gt3A_89 = arith.cmpf ogt, %select_n3A_56, %gt3A_88 : vector<64x1000xf32>
      %reduce_or3A_90 = arith.constant 1.000000e+00 : f32
      %reduce_or3A_91 = arith.constant 0.000000e+00 : f32
      %reduce_or3A_92 = vector.broadcast %reduce_or3A_90 : f32 to vector<64x1000xf32>
      %reduce_or3A_93 = vector.broadcast %reduce_or3A_91 : f32 to vector<64x1000xf32>
      %reduce_or3A_94 = arith.select %gt3A_89, %reduce_or3A_92, %reduce_or3A_93 : vector<64x1000xi1>, vector<64x1000xf32>
      %reduce_or3A_95 = vector.shape_cast %reduce_or3A_94 : vector<64x1000xf32> to vector<1x64x1000xf32>
      %reduce_or3A_96 = arith.constant dense<0xFF800000> : vector<1xf32>
      %reduce_or3A_97 = vector.multi_reduction <maximumf>, %reduce_or3A_95, %reduce_or3A_96 [1, 2] : vector<1x64x1000xf32> to vector<1xf32>
      %reduce_or3A_98 = vector.shape_cast %reduce_or3A_97 : vector<1xf32> to vector<1x1x1xf32>
      %reduce_or3A_99 = vector.extract %reduce_or3A_98[0, 0, 0] : f32 from vector<1x1x1xf32>
      %reduce_or3A_100 = arith.constant 0.000000e+00 : f32
      %reduce_or3A_101 = arith.cmpf ogt, %reduce_or3A_99, %reduce_or3A_100 : f32
      scf.yield %reduce_or3A_101, %select_n3A_83, %select_n3A_86, %select_n3A_56 : i1, vector<64x128xf32>, vector<64x128xi32>, vector<64x1000xf32>
    }
    %swap3A = arith.constant 0 : index
    %swap3A_27 = arith.constant 0 : index
    %swap3A_28 = vector.load %arg3[%swap3A, %swap3A_27] : memref<64x128xf32, #tpu.memory_space<vmem>>, vector<64x128xf32>
    tpu.vector_store %arg3[%swap3A, %swap3A_27], %while3A#1 {strides = array<i32>} : memref<64x128xf32, #tpu.memory_space<vmem>>, vector<64x128xf32>,
    %swap3A_29 = arith.constant 0 : index
    %swap3A_30 = arith.constant 0 : index
    %swap3A_31 = vector.load %arg4[%swap3A_29, %swap3A_30] : memref<64x128xi32, #tpu.memory_space<vmem>>, vector<64x128xi32>
    tpu.vector_store %arg4[%swap3A_29, %swap3A_30], %while3A#2 {strides = array<i32>} : memref<64x128xi32, #tpu.memory_space<vmem>>, vector<64x128xi32>,
    return
  }
  func.func @transform_0(%arg0: i32) -> (i32, i32) {
    %c0_i32 = arith.constant 0 : i32
    %c0_i32_0 = arith.constant 0 : i32
    %c0_i32_1 = arith.constant 0 : i32
    return %c0_i32, %c0_i32_0 : i32, i32
  }
  func.func @transform_1(%arg0: i32) -> (i32, i32) {
    %c0_i32 = arith.constant 0 : i32
    %c0_i32_0 = arith.constant 0 : i32
    return %arg0, %c0_i32 : i32, i32
  }
  func.func @transform_2(%arg0: i32) -> (i32, i32) {
    %c0_i32 = arith.constant 0 : i32
    %c0_i32_0 = arith.constant 0 : i32
    %c0_i32_1 = arith.constant 0 : i32
    return %c0_i32, %c0_i32_0 : i32, i32
  }
  func.func @transform_3(%arg0: i32) -> (i32, i32) {
    %c0_i32 = arith.constant 0 : i32
    %c0_i32_0 = arith.constant 0 : i32
    %c0_i32_1 = arith.constant 0 : i32
    return %c0_i32, %c0_i32_0 : i32, i32
  }
}

</mosaic_0001>

<sc_bundles>
// kernel: kernel.5.cloned.1.call-start
scs
__scs_entry_jumppad:
0x0: {  	(pc) =	sbr.rel $0x88, $3  }
0x1: {  	(tag) =	ssettag $0x0;
	lr =	simm.s32 $0x1  }
0x2: {  	[smem:$0x3F93] =	sst lr;
	_ =	strace $0xD0000000  }
0x3: {  	_ = 	snop  }
0x4: {  	_ = 	snop  }
0x5: {  	_ = 	snop  }
0x6: {  	_ = 	snop  }
0x7: {  	_ = 	snop  }
__scs_overlays_trampoline_lowered:
0x8: {  	[smem:$0x3FA2] =	sst s0  }
0x9: {  	[smem:$0x3FA3] =	sst s1  }
0xa: {  	[smem:$0x3FA4] =	sst s2  }
0xb: {  	[smem:$0x3FA5] =	sst s3  }
0xc: {  	[smem:$0x3FA6] =	sst s4  }
0xd: {  	[smem:$0x3FA7] =	sst s5  }
0xe: {  	[smem:$0x3FA8] =	sst s6  }
0xf: {  	[smem:$0x3FA9] =	sst s7  }
0x10: {  	[smem:$0x3FAA] =	sst s8  }
0x11: {  	[smem:$0x3FAB] =	sst s9;
	s0 =	simm.s32 @!p0 $0x0  }
0x12: {  	s1 =	sld [smem:$0x3F91];
	s0 =	simm.s32 @p0 $0x1  }
0x13: {  	[smem:$0x3FAC] =	sst s0;
	s0 =	simm.s32 @!p1 $0x0  }
0x14: {  	s2 =	sld [smem:$0x3F90];
	s0 =	simm.s32 @p1 $0x1  }
0x15: {  	[smem:$0x3FAD] =	sst s0;
	s0 =	simm.s32 @!p2 $0x0  }
0x16: {  	s3 =	sld [smem:$0x3FDB];
	s0 =	simm.s32 @p2 $0x1  }
0x17: {  	s4 =	simm.s32 $0x1BF5;
	[smem:$0x3FAF] =	sst s0  }
0x18: {  	s0 =	sld [smem:$0x3F92];
	_ =	swait.ge [sflag:s4], $0x0  }
0x19: {  	s7 =	sld [smem:$0x3F93]  }
0x1a: {  	s8 =	sadd.s32 $0xFFFFE003, lr  }
0x1b: {  	s9 =	sadd.s32 $0xFFFFFEF7, lr;
	s5 =	simm.s32 $0xFFFFFFFF;
	p2 =	slt.u32 s8, $0xFFFFF086  }
0x1c: {  	p1 =	slt.u32 s9, $0xF7A;
	s5 =	simm.s32 @!p2 $0x0  }
0x1d: {  	s5 =	simm.s32 @p1 $0x1;
	p0 =	seq.s32 s7, s2  }
0x1e: {  	s7 =	smul.u32 @!p0 $0xF7A, s2;
	p2 =	seq.s32 @!p0 s5, $0x0  }
0x1f: {  	s9 =	smul.u32 $0xF7A, s1;
	s8 =	simm.s32 @!p0 $0x1BF5;
	p2 =	por !p2, p0  }
0x20: {  	[sflag:s8] =	ssyncset.s32 @!p0 $0xFFFFF086;
	s6 =	sadd.s32 @!p0 s3, s7;
	s7 =	simm.s32 @!p0 $0x108  }
0x21: {  	s3 =	sadd.s32 s3, s9;
	s6 =	sadd.s32 @!p0 $0x88, s6;
	s7 =	simm.s32 @p2 $0x1082  }
0x22: {  	[simem:s7], [sflag:s8] =	dma.local @!p0 [hbm:s6], $0xF7A  }
0x23: {  	s9 =	sor.u32 $0xD0000000, s2;
	s6 =	simm.s32 $0x108;
	_ =	swait.ge @!p0 [sflag:s8], $0x0  }
0x24: {  	s3 =	sadd.s32 $0x88, s3;
	s6 =	simm.s32 @!p1 $0x1082;
	[sflag:s4] =	ssyncset.s32 $0xFFFFF086  }
0x25: {  	[simem:s6], [sflag:s4] =	dma.local [hbm:s3], $0xF7A  }
0x26: {  	[smem:$0x3F93] =	sst s1;
	(tag) =	ssettag s2;
	_ =	strace s9  }
0x27: {  	s1 =	sld [smem:$0x3FA3]  }
0x28: {  	s2 =	sld [smem:$0x3FA4]  }
0x29: {  	s4 =	sld [smem:$0x3FA6]  }
0x2a: {  	p0 =	seq.s32 s5, $0x0;
	s5 =	sld [smem:$0x3FA7]  }
0x2b: {  	s6 =	sld [smem:$0x3FA8]  }
0x2c: {  	s7 =	sld [smem:$0x3FA9]  }
0x2d: {  	s3 =	simm.s32 $0x108;
	s8 =	sld [smem:$0x3FAA]  }
0x2e: {  	s3 =	simm.s32 @!p0 $0x1082;
	s9 =	sld [smem:$0x3FAB]  }
0x2f: {  	lr =	sadd.s32 s0, s3;
	s0 =	sld [smem:$0x3FA2]  }
0x30: {  	s3 =	sld [smem:$0x3FA5]  }
0x31: {  	[smem:$0x3FAE] =	sst s10  }
0x32: {  	s10 =	sld [smem:$0x3FAC];
	_ =	sdelay $0x3  }
0x33: {  	p0 =	seq.s32 s10, $0x1;
	s10 =	sld [smem:$0x3FAE];
	_ =	sdelay $0x3  }
0x34: {  	[smem:$0x3FAE] =	sst s10  }
0x35: {  	s10 =	sld [smem:$0x3FAD];
	_ =	sdelay $0x3  }
0x36: {  	p1 =	seq.s32 s10, $0x1;
	s10 =	sld [smem:$0x3FAE];
	_ =	sdelay $0x3  }
0x37: {  	[smem:$0x3FAE] =	sst s10  }
0x38: {  	s10 =	sld [smem:$0x3FAF]  }
0x39: {  	_ = 	snop;
	(pc) =	sbr.ind lr, $3  }
0x3a: {  	_ = 	snop  }
0x3b: {  	_ = 	snop  }
0x3c: {  	p2 =	seq.s32 s10, $0x1;
	s10 =	sld [smem:$0x3FAE]  }
0x3d: {  	_ =	shalt  }
0x3e: {  	_ =	shalt  }
0x3f: {  	_ =	shalt  }
0x40: {  	_ =	shalt  }
0x41: {  	_ =	shalt  }
0x42: {  	_ =	shalt  }
0x43: {  	_ =	shalt  }
0x44: {  	_ =	shalt  }
0x45: {  	_ =	shalt  }
0x46: {  	_ =	shalt  }
0x47: {  	_ =	shalt  }
0x48: {  	_ =	shalt  }
0x49: {  	_ =	shalt  }
0x4a: {  	_ =	shalt  }
0x4b: {  	_ =	shalt  }
0x4c: {  	_ =	shalt  }
0x4d: {  	_ =	shalt  }
0x4e: {  	_ =	shalt  }
0x4f: {  	_ =	shalt  }
0x50: {  	_ =	shalt  }
0x51: {  	_ =	shalt  }
0x52: {  	_ =	shalt  }
0x53: {  	_ =	shalt  }
0x54: {  	_ =	shalt  }
0x55: {  	_ =	shalt  }
0x56: {  	_ =	shalt  }
0x57: {  	_ =	shalt  }
0x58: {  	_ =	shalt  }
0x59: {  	_ =	shalt  }
0x5a: {  	_ =	shalt  }
0x5b: {  	_ =	shalt  }
0x5c: {  	_ =	shalt  }
0x5d: {  	_ =	shalt  }
0x5e: {  	_ =	shalt  }
0x5f: {  	_ =	shalt  }
0x60: {  	_ =	shalt  }
0x61: {  	_ =	shalt  }
0x62: {  	_ =	shalt  }
0x63: {  	_ =	shalt  }
0x64: {  	_ =	shalt  }
0x65: {  	_ =	shalt  }
0x66: {  	_ =	shalt  }
0x67: {  	_ =	shalt  }
0x68: {  	_ =	shalt  }
0x69: {  	_ =	shalt  }
0x6a: {  	_ =	shalt  }
0x6b: {  	_ =	shalt  }
0x6c: {  	_ =	shalt  }
0x6d: {  	_ =	shalt  }
0x6e: {  	_ =	shalt  }
0x6f: {  	_ =	shalt  }
0x70: {  	_ =	shalt  }
0x71: {  	_ =	shalt  }
0x72: {  	_ =	shalt  }
0x73: {  	_ =	shalt  }
0x74: {  	_ =	shalt  }
0x75: {  	_ =	shalt  }
0x76: {  	_ =	shalt  }
0x77: {  	_ =	shalt  }
0x78: {  	_ =	shalt  }
0x79: {  	_ =	shalt  }
0x7a: {  	_ =	shalt  }
0x7b: {  	_ =	shalt  }
0x7c: {  	_ =	shalt  }
0x7d: {  	_ =	shalt  }
0x7e: {  	_ =	shalt  }
0x7f: {  	_ =	shalt  }
0x80: {  	_ =	shalt  }
0x81: {  	_ =	shalt  }
0x82: {  	_ =	shalt  }
0x83: {  	_ =	shalt  }
0x84: {  	_ =	shalt  }
0x85: {  	_ =	shalt  }
0x86: {  	_ =	shalt  }
0x87: {  	_ =	shalt  }
.Lfunc_end0:
.L_simem_size_0:
called_computation_lowered:
.L_overlay_start_0:
0x88: {  	s2 =	sld [smem:$0x3FD9]  }
0x89: {  	s3 =	sld [smem:$0x3FFE];
	_ =	sdelay $0x1  }
0x8a: {  	s1 =	srdreg.scid  }
0x8b: {  	s0 =	sand.u32 $0x1, s1  }
0x8c: {  	s14 =	sshll.u32 s0, $0xA;
	s2 =	sadd.s32 s3, s2  }
0x8d: {  	s2 =	sadd.s32 s2, s14  }
0x8e: {  	[smem:$0x3FBA] =	sst s2  }
0x8f: {  	_ = 	snop  }
0x90: {  	s2 =	sld [smem:$0x3FD0];
	_ =	sdelay $0x2  }
0x91: {  	s4 =	simm.s32 $0xA;
	s5 =	simm.s32 $0x10;
	s15 =	sld [smem:$0x3FC8]  }
0x92: {  	[smem:s5], [sflag:s4] =	dma.local [hbm:s2], $0x1  }
0x93: {  	_ =	swait.eq [sflag:s4], $0x1  }
0x94: {  	[sflag:s4] =	ssyncset.done $0x0  }
0x95: {  	[sflag:s4] =	ssyncadd.s32 $0xFFFFFFFF  }
0x96: {  	s16 =	sld [smem:$0x10];
	(tm) =	ssettm $0x1  }
0x97: {  	s17 =	sld [smem:$0x3FFB];
	_ =	sdelay $0x3  }
0x98: {  	_ =	strace s17  }
0x99: {  	s4 =	sld [smem:$0x3FFC];
	_ =	sdelay $0x3  }
0x9a: {  	_ =	strace s4  }
0x9b: {  	s4 =	sld [smem:$0x3FFD];
	_ =	sdelay $0x3  }
0x9c: {  	_ =	strace s4  }
0x9d: {  	_ =	strace $0x8FFFFFFF  }
0x9e: {  	s18 =	sld [smem:$0x3FDB];
	_ =	sdelay $0x1  }
0x9f: {  	s19 =	simm.s32 $_scs_section_size  }
0xa0: {  	s6 =	simm.s32 $_size__tile_overlayer_lowered;
	s7 =	simm.s32 $_tile_overlayer_lowered  }
0xa1: {  	s22 =	simm.s32 $0x1BFF;
	s21 =	sshll.u32 s7, $0x1;
	s4 =	sadd.s32 s19, s18  }
0xa2: {  	s8 =	simm.s32 $0x0;
	s20 =	sshll.u32 s6, $0x1;
	s6 =	sadd.s32 s21, s4  }
0xa3: {  	[timem:s8], [sflag:s22] =	dma.local [hbm:s6], s20  }
0xa4: {  	_ =	swait.ge [sflag:s22], s20  }
0xa5: {  	s5 =	ssub.s32 $0x0, s20;
	[sflag:s22] =	ssyncset.done $0x0  }
0xa6: {  	[sflag:s22] =	ssyncadd.s32 s5;
	_ =	sdelay $0x1  }
0xa7: {  	s23 =	simm.s32 $0x1B8B  }
0xa8: {  	_ =	swait.ge [sflag:s23], $0x1  }
0xa9: {  	[sflag:s23] =	ssyncset.done $0x0  }
0xaa: {  	s25 =	simm.s32 $0x1B8E;
	s24 =	sld [smem:$0x3FFE];
	[sflag:s23] =	ssyncadd.s32 $0xFFFFFFFF  }
0xab: {  	s26 =	simm.s32 $execute0_lowered;
	[smem:$0x3FD2] =	sst s25  }
0xac: {  	s6 =	sshll.u32 s26, $0x1;
	_ =	strace $0x80000046;
	[dreg:$0x1] =	wrdreg $0xFFFFFFFF  }
0xad: {  	s28 =	simm.s32 $_size_execute0_lowered;
	s4 =	sadd.s32 s4, s6;
	[dreg:$0x0] =	wrdreg $0x0  }
0xae: {  	s6 =	sshll.u32 s28, $0x1;
	[dreg:$0x2] =	wrdreg s4  }
0xaf: {  	[dreg:$0x3] =	wrdreg s6  }
0xb0: {  	[dreg:$0x4] =	wrdreg $0xC0  }
0xb1: {  	_ =	task [dreg:s8], $0x5FFFF  }
0xb2: {  	[dreg:$0x1] =	wrdreg $0xFFFFFFFF  }
0xb3: {  	[dreg:$0x0] =	wrdreg $0x60  }
0xb4: {  	[dreg:$0x2] =	wrdreg s15  }
0xb5: {  	[dreg:$0x3] =	wrdreg s16  }
0xb6: {  	[dreg:$0x4] =	wrdreg s24  }
0xb7: {  	[dreg:$0x5] =	wrdreg $0x9  }
0xb8: {  	_ =	task.clear_ibuf [dreg:s8], $0x6FFFF;
	_ =	strace $0x90000046  }
0xb9: {  	s29 =	simm.s32 $0x9;
	_ =	strace $0x80000048  }
0xba: {  	_ =	swait.ge [sflag:s29], $0x1  }
0xbb: {  	[sflag:s29] =	ssyncadd.s32 $0xFFFFFFFF  }
0xbc: {  	_ =	strace $0x90000048  }
0xbd: {  	_ =	sfence  }
0xbe: {  	s30 =	sld [smem:$0x0];
	_ =	sdelay $0x2  }
0xbf: {  	s31 =	sshll.u32 s1, $0xD;
	s1 =	sshrl.u32 s1, $0x2  }
0xc0: {  	s3 =	sand.u32 $0x4000, s31;
	s1 =	sadd.s32 s1, s30  }
0xc1: {  	s0 =	sor.u32 s3, s0;
	s1 =	sshll.u32 s1, $0x11  }
0xc2: {  	s0 =	sor.u32 s1, s0  }
0xc3: {  	s0 =	sadd.s32 $0x8F2B, s0  }
0xc4: {  	[sflag:s0] =	ssyncadd.remote.s32 $0x1  }
0xc5: {  	_ =	sfence.sel $0xFFFF  }
0xc6: {  	[dreg:$0x0] =	wrdreg $0xFFFFFFFF;
	(pc) =	sbr.abs _section_cstart, $3  }
0xc7: {  	[dreg:$0x1] =	wrdreg $0xFFFFFFFF  }
0xc8: {  	_ =	task.clear_ibuf [dreg:s8], $0x2FFFF;
	_ =	strace $0x9FFFFFFF  }
0xc9: {  	(tm) =	ssettm $0x7FFFFFFF  }
tec
execute0_lowered:
.L_overlay_start_1:
0x0: {  	(tag) =	ssettag $0x1  }
0x1: {  	s1 =	rddreg [dreg:$0x0];
	s2 =	srdreg.scid  }
0x2: {  	s4 =	rddreg [dreg:$0x1];
	s0 =	stileid.u32  }
0x3: {  	s8 =	rddreg [dreg:$0x2];
	s3 =	simm.s32 $0x0;
	s6 =	sand.u32 $0x1, s2  }
0x4: {  	s5 =	sshll.u32 s0, $0x9;
	s2 =	rddreg [dreg:$0x3];
	s7 =	sshll.u32 s6, $0x8  }
0x5: {  	[smem:$0x7FF] =	sst s3;
	s9 =	sor.u32 s7, s5  }
0x6: {  	_ =	strace $0x80000047;
	s10 =	ssub.s32 $0x2, s6;
	s5 =	sshrl.u32 s9, $0x3  }
0x7: {  	s6 =	simm.s32 $0x100;
	s5 =	sadd.s32 s4, s5;
	s4 =	simm.s32 $0x2  }
0x8: {  	[tilespmem:s3], [sflag:$0x2] =	stream.linear.gather [hbm4b:s5+s3], $0x100, $0x38;
	[tilespmem:$0x8100] =	vst v63  }
0x9: {  	s7 =	simm.s32 $0x1;
	s11 =	sshrl.u32 s10, $0x1;
	_ =	swait.ge [sflag:s4], $0x100  }
0xa: {  	s9 =	sshll.u32 s9, $0x4;
	s31 =	ssub.s32 s10, s11;
	[sflag:s4] =	ssyncset.done $0x0  }
0xb: {  	s8 =	sadd.s32 s9, s8;
	s9 =	smax.u32 s31, $0x1;
	[sflag:s4] =	ssyncadd.s32 $0xFFFFFF00  }
0xc: {  	[tilespmem:s6], [sflag:$0x1] =	stream.indirect.gather [hbm4b:s1+s6], $0x80, s3, s6, $0xb8;
	[tilespmem:$0x8100] =	vst v63  }
0xd: {  	p0 =	sne.s32 s9, $0x1;
	_ =	swait.ge [sflag:s7], $0x8000  }
.Ltmp0:
0xe: {  	[sflag:s7] =	ssyncset.done $0x0;
	(pc) =	sbr.rel @!p0 .LBB2_2-.Ltmp0, $4  }
0xf: {  	s8 =	sadd.s32 $0x1E00, s8;
	[sflag:s7] =	ssyncadd.s32 $0xFFFF8000  }
0x10: {  	[hbm4b:s8+s3] =	stream.linear.scatter [tilespmem:s6], [sflag:$0x2], $0x8000, $0x38;
	[tilespmem:$0x8100] =	vst v63  }
0x11: {  	_ =	swait.ge [sflag:s4], $0x8000  }
0x12: {  	s9 =	sadd.s32 $0xFFFFFFFF, s9;
	[sflag:s4] =	ssyncset.done $0x0  }
.LBB2_1:
0x13: {  	p0 =	sne.s32 s9, $0x1;
	s9 =	sadd.s32 $0xFFFFFFFF, s9;
	[sflag:s4] =	ssyncadd.s32 $0xFFFF8000  }
0x14: {  	[tilespmem:s3], [sflag:$0x2] =	stream.linear.gather [hbm4b:s5+s3], $0x100, $0x38;
	[tilespmem:$0x8100] =	vst v63  }
0x15: {  	_ =	swait.ge [sflag:s4], $0x100  }
0x16: {  	[sflag:s4] =	ssyncset.done $0x0  }
0x17: {  	[sflag:s4] =	ssyncadd.s32 $0xFFFFFF00  }
0x18: {  	[tilespmem:s6], [sflag:$0x1] =	stream.indirect.gather [hbm4b:s1+s6], $0x80, s3, s6, $0xb8;
	[tilespmem:$0x8100] =	vst v63  }
0x19: {  	_ =	swait.ge [sflag:s7], $0x8000  }
.Ltmp1:
0x1a: {  	[sflag:s7] =	ssyncset.done $0x0;
	(pc) =	sbr.rel @p0 .LBB2_1-.Ltmp1, $4  }
0x1b: {  	[sflag:s7] =	ssyncadd.s32 $0xFFFF8000  }
0x1c: {  	[hbm4b:s8+s3] =	stream.linear.scatter [tilespmem:s6], [sflag:$0x2], $0x8000, $0x38;
	[tilespmem:$0x8100] =	vst v63  }
0x1d: {  	_ =	swait.ge [sflag:s4], $0x8000  }
0x1e: {  	[sflag:s4] =	ssyncset.done $0x0  }
.LBB2_2:
0x1f: {  	[sflag:s4] =	ssyncadd.s32 $0xFFFF8000  }
0x20: {  	_ =	sfence.sel $0x180000  }
0x21: {  	[bflag:$0x0] =	sbarrier.arrive $0xFFFF  }
0x22: {  	p0 =	sne.s32 s0, $0x0;
	_ =	strace $0x90000047  }
0x23: {  	s0 =	sadd.s32 @!p0 $0x100000, s2;
	[bflag:$0x2] =	sbarrier.arrive $0xFFFF  }
0x24: {  	[sflag:s0] =	ssyncadd.tile.s32 @!p0 $0x1;
	_ =	shalt  }
.Lfunc_end2:
_tile_overlayer_lowered:
.L_overlay_start_2:
0x25: {  	(tag) =	ssettag $0x2  }
0x26: {  	s0 =	rddreg [dreg:$0x0];
	s2 =	stileid.u32  }
0x27: {  	s1 =	rddreg [dreg:$0x1];
	p0 =	sne.s32 s2, $0x0  }
0x28: {  	s3 =	rddreg [dreg:$0x2];
	[bflag:$0x3] =	sbarrier.arrive $0xFFFF;
	s2 =	simm.s32 @!p0 $0x1C02  }
0x29: {  	[timem:s3], [sflag:s2] =	dma.local @!p0 [hbm:s0], s1  }
0x2a: {  	s0 =	simm.s32 @!p0 $0x2  }
0x2b: {  	_ =	swait.ge @!p0 [sflag:s0], s1  }
0x2c: {  	s1 =	ssub.s32 @!p0 $0x0, s1;
	[sflag:s0] =	ssyncset.done @!p0 $0x0  }
0x2d: {  	[sflag:s0] =	ssyncadd.s32 @!p0 s1  }
0x2e: {  	[bflag:$0x3] =	sbarrier.arrive $0xFFFF  }
0x2f: {  	_ =	shalt  }

</sc_bundles>
